<compile_context>
chip_gen: v7x
topology: tpu7x:2x2x1
jax: 0.10.2.dev20260603
libtpu: 0.0.44.dev20260713+nightly
codegen_flags: <defaults>
</compile_context>

<pallas_src>
import functools
import math

import jax
import jax.numpy as jnp
from jax import lax
from jax.experimental import pallas as pl
from jax.experimental.pallas import tpu as pltpu
from jax.experimental.pallas import tpu_sc as plsc

_N_HEADS = 8
_EMBED = 128
_FF = 512
_KEY_DIM = _EMBED // _N_HEADS


def _indeg_counts(edge_index, n_nodes):
    _, e = edge_index.shape
    assert e % 128 == 0 and n_nodes % 80 == 0
    n_chunks = e // 128
    n_w = max(w for w in range(1, 33) if n_chunks % w == 0)
    e_w = e // n_w

    mesh = plsc.VectorSubcoreMesh(core_axis_name="c", subcore_axis_name="s")

    @functools.partial(
        pl.kernel,
        out_type=jax.ShapeDtypeStruct((2, n_nodes), jnp.float32),
        mesh=mesh,
        scratch_types=[
            pltpu.VMEM((2, e_w), jnp.int32),
            pltpu.VMEM((e_w,), jnp.int32),
            pltpu.VMEM((e_w,), jnp.float32),
            pltpu.VMEM((n_nodes,), jnp.float32),
            pltpu.VMEM_SHARED((n_nodes,), jnp.float32),
        ],
    )
    def indeg_kernel(ei_hbm, out_hbm, blk_v, idx_v, ones_v, zeros_v,
                     acc_shared):
        c = lax.axis_index("c")
        s = lax.axis_index("s")
        rank = 2 * s + c

        def fill_ones(i, carry):
            ones_v[pl.ds(i * 16, 16)] = jnp.full((16,), 1.0, jnp.float32)
            return carry

        lax.fori_loop(0, e_w // 16, fill_ones, 0)

        n_slice = n_nodes // 10
        n_fill = ((n_slice + 15) // 16) * 16

        def fill_zeros(i, carry):
            zeros_v[pl.ds(i * 16, 16)] = jnp.zeros((16,), jnp.float32)
            return carry

        lax.fori_loop(0, n_fill // 16, fill_zeros, 0)

        @pl.when(s < 10)
        def _():
            pltpu.sync_copy(zeros_v.at[pl.ds(0, n_slice)],
                            acc_shared.at[pl.ds(s * n_slice, n_slice)])

        plsc.subcore_barrier()

        @pl.when(rank < n_w)
        def _():
            pltpu.sync_copy(ei_hbm.at[:, pl.ds(rank * e_w, e_w)], blk_v)

            def copy_row(i, carry):
                idx_v[pl.ds(i * 16, 16)] = blk_v[1, pl.ds(i * 16, 16)]
                return carry

            lax.fori_loop(0, e_w // 16, copy_row, 0)
            pltpu.sync_copy(ones_v, acc_shared.at[idx_v], add=True)

        plsc.subcore_barrier()

        @pl.when(s == 0)
        def _():
            pltpu.sync_copy(acc_shared, out_hbm.at[c])

    return indeg_kernel(edge_index)


def _mm(a, b):
    return jax.lax.dot(a, b, preferred_element_type=jnp.float32)


def _dense_body(x_ref, cnt_ref,
                wv0_ref, wo0_ref, bn1w0_ref, bn1b0_ref, w10_ref, b10_ref,
                w20_ref, b20_ref, bn2w0_ref, bn2b0_ref,
                wv1_ref, wo1_ref, bn1w1_ref, bn1b1_ref, w11_ref, b11_ref,
                w21_ref, b21_ref, bn2w1_ref, bn2b1_ref, out_ref):
    h = x_ref[...]
    tot = jax.lax.dot_general(cnt_ref[...], jnp.ones((2, 1), jnp.float32),
                              (((0,), (0,)), ((), ())))
    mask = jnp.where(tot > 0.0, 1.0, 0.0)
    layers = (
        (wv0_ref, wo0_ref, bn1w0_ref, bn1b0_ref, w10_ref, b10_ref,
         w20_ref, b20_ref, bn2w0_ref, bn2b0_ref),
        (wv1_ref, wo1_ref, bn1w1_ref, bn1b1_ref, w11_ref, b11_ref,
         w21_ref, b21_ref, bn2w1_ref, bn2b1_ref),
    )
    for (wv, wo, bn1w, bn1b, w1, b1, w2, b2, bn2w, bn2b) in layers:
        wv_flat = jnp.concatenate(
            [wv[pl.ds(hh * _EMBED, _EMBED), :] for hh in range(_N_HEADS)],
            axis=1)
        v = _mm(h, wv_flat)
        g = h + _mm(v * mask, wo[...])

        def bn(g, w, b):
            m = jnp.mean(g, axis=0, keepdims=True)
            msq = jnp.mean(g * g, axis=0, keepdims=True)
            scale = w / jnp.sqrt(msq - m * m + 1e-5)
            return g * scale + (b - m * scale)

        h = bn(g, bn1w[...], bn1b[...])
        t = jnp.maximum(_mm(h, w1[...]) + b1[...], 0.0)
        g2 = h + (_mm(t, w2[...]) + b2[...])
        h = bn(g2, bn2w[...], bn2b[...])
    out_ref[...] = h


def kernel(x, edge_index, params):
    b, g, d = x.shape
    n = b * g

    counts = _indeg_counts(edge_index, n)

    def layer_args(p):
        return (
            p['Wv'].reshape(_N_HEADS * _EMBED, _KEY_DIM),
            p['Wo'].reshape(_N_HEADS * _KEY_DIM, _EMBED),
            p['bn1_w'].reshape(1, _EMBED), p['bn1_b'].reshape(1, _EMBED),
            p['ff_w1'], p['ff_b1'].reshape(1, _FF),
            p['ff_w2'], p['ff_b2'].reshape(1, _EMBED),
            p['bn2_w'].reshape(1, _EMBED), p['bn2_b'].reshape(1, _EMBED),
        )

    out = pl.pallas_call(
        _dense_body,
        out_shape=jax.ShapeDtypeStruct((n, d), jnp.float32),
    )(x.reshape(n, d), counts,
      *layer_args(params[0]), *layer_args(params[1]))
    return out.reshape(b, g, d)

# --- scband reference (transcript-rebuilt; emitter-appended) ---
"""Pipeline reference for scband-torch-geo-graph-attention-encoder-9637906612579 (READ-ONLY COPY).

The authoritative reference and input builder live on the scoring server;
editing this copy changes nothing except your own understanding.
"""

import jax, jax.numpy as jnp
import numpy as np
import math

N_HEADS = 8
EMBED = 128
N_LAYERS = 2
FF = 512
KEY_DIM = EMBED // N_HEADS
VAL_DIM = KEY_DIM
B = 1
G = 10000
E = 320000


def _init_params(key):
    params = []
    for l in range(N_LAYERS):
        key, k0, k1, k2, k3, k4, k5 = jax.random.split(key, 7)
        s_qkv = 1.0 / math.sqrt(KEY_DIM)
        s_out = 1.0 / math.sqrt(EMBED)
        s_ff1 = 1.0 / math.sqrt(FF)
        p = {
            'Wq': jax.random.uniform(k0, (N_HEADS, EMBED, KEY_DIM), jnp.float32, -s_qkv, s_qkv),
            'Wk': jax.random.uniform(k1, (N_HEADS, EMBED, KEY_DIM), jnp.float32, -s_qkv, s_qkv),
            'Wv': jax.random.uniform(k2, (N_HEADS, EMBED, VAL_DIM), jnp.float32, -s_qkv, s_qkv),
            'Wo': jax.random.uniform(k3, (N_HEADS, KEY_DIM, EMBED), jnp.float32, -s_out, s_out),
            'bn1_w': jnp.ones((EMBED,), jnp.float32),
            'bn1_b': jnp.zeros((EMBED,), jnp.float32),
            'ff_w1': jax.random.uniform(k4, (EMBED, FF), jnp.float32, -s_out, s_out),
            'ff_b1': jnp.zeros((FF,), jnp.float32),
            'ff_w2': jax.random.uniform(k5, (FF, EMBED), jnp.float32, -s_ff1, s_ff1),
            'ff_b2': jnp.zeros((EMBED,), jnp.float32),
            'bn2_w': jnp.ones((EMBED,), jnp.float32),
            'bn2_b': jnp.zeros((EMBED,), jnp.float32),
        }
        params.append(p)
    return params


def setup_inputs(seed: int = 0) -> dict:
    key = jax.random.key(seed)
    kx, ke, kp = jax.random.split(key, 3)
    x = jax.random.normal(kx, (B, G, EMBED), dtype=jnp.float32)
    edge_index = jax.random.randint(ke, (2, E), 0, B * G, dtype=jnp.int32)
    params = _init_params(kp)
    return {'x': x, 'edge_index': edge_index, 'params': params}


def _gat_conv(x, edge_index, p):
    Bx, Gx, D = x.shape
    N = Bx * Gx
    h = x.reshape(N, D)
    Q = jnp.einsum('nd,hdk->nhk', h, p['Wq'])
    K = jnp.einsum('nd,hdk->nhk', h, p['Wk'])
    V = jnp.einsum('nd,hdk->nhk', h, p['Wv'])
    src = edge_index[0]
    dst = edge_index[1]
    nf = 1.0 / math.sqrt(KEY_DIM)
    # message: attn = norm_factor * (Q_j * K_i).sum(-1)  (j=src, i=dst)
    attn = nf * jnp.sum(Q[src] * K[dst], axis=-1)  # [E, H]
    # PyG-style segment softmax over edges grouped by dst, max-subtracted (max detached)
    amax = jax.ops.segment_max(attn, dst, num_segments=N)
    amax = jnp.where(jnp.isfinite(amax), amax, 0.0)
    amax = jax.lax.stop_gradient(amax)
    ex = jnp.exp(attn - amax[dst])
    den = jax.ops.segment_sum(ex, dst, num_segments=N)
    alpha = ex / (den[dst] + 1e-16)
    msg = V[dst] * alpha[:, :, None]  # [E, H, val_dim]
    aggr = jax.ops.segment_sum(msg, dst, num_segments=N)  # aggr='add'
    out = aggr.reshape(N, N_HEADS * VAL_DIM) @ p['Wo'].reshape(N_HEADS * KEY_DIM, EMBED)
    return out.reshape(Bx, Gx, EMBED)


def _bn(h, w, b, eps=1e-5):
    flat = h.reshape(-1, h.shape[-1])
    m = flat.mean(axis=0)
    v = flat.var(axis=0)
    y = (flat - m) / jnp.sqrt(v + eps) * w + b
    return y.reshape(h.shape)


def _forward(x, edge_index, params):
    h = x
    for p in params:
        h = h + _gat_conv(h, edge_index, p)
        h = _bn(h, p['bn1_w'], p['bn1_b'])
        ff = jnp.maximum(h.reshape(-1, EMBED) @ p['ff_w1'] + p['ff_b1'], 0.0) @ p['ff_w2'] + p['ff_b2']
        h = h + ff.reshape(h.shape)
        h = _bn(h, p['bn2_w'], p['bn2_b'])
    return h


def reference(x, edge_index, params):
    return _forward(x, edge_index, params)

if __name__ == "__main__":
    import jax
    _d = setup_inputs()
    print(jax.jit(kernel)(*tuple(_d.values())))

</pallas_src>

<mosaic_0001>
#map = affine_map<(d0, d1) -> (0, 0)>
module attributes {stable_mosaic.version = 14 : i64} {
  func.func @indeg_kernel(%arg0: i32, %arg1: i32, %arg2: memref<2x320000xi32, #tpu.memory_space<hbm>>, %arg3: memref<2x10000xf32, #tpu.memory_space<hbm>>, %arg4: memref<2x12800xi32, #tpu.memory_space<vmem>>, %arg5: memref<12800xi32, #tpu.memory_space<vmem>>, %arg6: memref<12800xf32, #tpu.memory_space<vmem>>, %arg7: memref<10000xf32, #tpu.memory_space<vmem>>, %arg8: memref<10000xf32, #tpu.memory_space<vmem_shared>>) attributes {dimension_semantics = [#tpu.dimension_semantics<core_parallel>, #tpu.dimension_semantics<subcore_parallel>], iteration_bounds = array<i64: 2, 16>, scalar_prefetch = 0 : i64, scratch_operands = 5 : i64, tpu.core_type = #tpu.core_type<sc_vector_subcore>, window_params = [{transform_indices = #map}, {transform_indices = #map}]} {
    %mul3A = arith.constant 2 : i32
    %mul3A_0 = arith.muli %mul3A, %arg1 : i32
    %add3A = arith.addi %mul3A_0, %arg0 : i32
    %scan3A = arith.constant 0 : i32
    %scan3A_1 = arith.constant 0 : i32
    %scan3A_2 = arith.constant 800 : i32
    %scan3A_3 = arith.addi %scan3A_1, %scan3A_2 : i32
    %scan3A_4 = arith.constant 1 : i32
    scf.for %scan3A_24 = %scan3A_1 to %scan3A_3 step %scan3A_4  : i32 {
      %broadcast_in_dim3A = arith.constant 1.000000e+00 : f32
      %broadcast_in_dim3A_25 = vector.broadcast %broadcast_in_dim3A : f32 to vector<16xf32>
      %mul3A_26 = arith.constant 16 : i32
      %mul3A_27 = arith.muli %scan3A_24, %mul3A_26 : i32
      %swap3A = arith.index_cast %mul3A_27 : i32 to index
      %swap3A_28 = tpu.vector_load %arg6[%swap3A] {strides = array<i32>} : memref<12800xf32, #tpu.memory_space<vmem>>, vector<16xf32>,
      %swap3A_29 = vector.shape_cast %swap3A_28 : vector<16xf32> to vector<16xf32>
      %swap3A_30 = vector.shape_cast %broadcast_in_dim3A_25 : vector<16xf32> to vector<16xf32>
      tpu.vector_store %arg6[%swap3A], %swap3A_30 {strides = array<i32>} : memref<12800xf32, #tpu.memory_space<vmem>>, vector<16xf32>,
    }
    %scan3A_5 = arith.constant 800 : i32
    %scan3A_6 = arith.constant 0 : i32
    %scan3A_7 = arith.constant 0 : i32
    %scan3A_8 = arith.constant 63 : i32
    %scan3A_9 = arith.addi %scan3A_7, %scan3A_8 : i32
    %scan3A_10 = arith.constant 1 : i32
    scf.for %scan3A_24 = %scan3A_7 to %scan3A_9 step %scan3A_10  : i32 {
      %broadcast_in_dim3A = arith.constant 0.000000e+00 : f32
      %broadcast_in_dim3A_25 = vector.broadcast %broadcast_in_dim3A : f32 to vector<16xf32>
      %mul3A_26 = arith.constant 16 : i32
      %mul3A_27 = arith.muli %scan3A_24, %mul3A_26 : i32
      %swap3A = arith.index_cast %mul3A_27 : i32 to index
      %swap3A_28 = tpu.vector_load %arg7[%swap3A] {strides = array<i32>} : memref<10000xf32, #tpu.memory_space<vmem>>, vector<16xf32>,
      %swap3A_29 = vector.shape_cast %swap3A_28 : vector<16xf32> to vector<16xf32>
      %swap3A_30 = vector.shape_cast %broadcast_in_dim3A_25 : vector<16xf32> to vector<16xf32>
      tpu.vector_store %arg7[%swap3A], %swap3A_30 {strides = array<i32>} : memref<10000xf32, #tpu.memory_space<vmem>>, vector<16xf32>,
    }
    %scan3A_11 = arith.constant 63 : i32
    %lt3A = arith.constant 10 : i32
    %lt3A_12 = arith.cmpi slt, %arg1, %lt3A : i32
    %convert_element_type3A = arith.extui %lt3A_12 : i1 to i32
    %cond3A = arith.constant 0 : i32
    %cond3A_13 = arith.cmpi ne, %convert_element_type3A, %cond3A : i32
    scf.if %cond3A_13 {
      %mul3A_24 = arith.constant 1000 : i32
      %mul3A_25 = arith.muli %arg1, %mul3A_24 : i32
      "tpu.region"() ({
        %run_scoped3A = tpu.sem_alloc : memref<!tpu.dma_semaphore, #tpu.memory_space<semaphore_mem>>
        %dma_start3A = arith.constant 0 : i32
        %dma_start3A_26 = tpu.memref_slice %arg7[%dma_start3A] : memref<10000xf32, #tpu.memory_space<vmem>> -> memref<1000xf32, #tpu.memory_space<vmem>>
        %dma_start3A_27 = tpu.memref_slice %arg8[%mul3A_25] : memref<10000xf32, #tpu.memory_space<vmem_shared>> -> memref<1000xf32, #tpu.memory_space<vmem_shared>>
        %dma_start3A_28 = tpu.memref_slice %arg8[%mul3A_25] : memref<10000xf32, #tpu.memory_space<vmem_shared>> -> memref<1000xf32, #tpu.memory_space<vmem_shared>>
        %dma_start3A_29 = arith.constant 0 : i32
        %dma_start3A_30 = tpu.memref_slice %arg7[%dma_start3A_29] : memref<10000xf32, #tpu.memory_space<vmem>> -> memref<1000xf32, #tpu.memory_space<vmem>>
        tpu.enqueue_dma source(%dma_start3A_30 : memref<1000xf32, #tpu.memory_space<vmem>>) target(%dma_start3A_28 : memref<1000xf32, #tpu.memory_space<vmem_shared>>) target_semaphore(%run_scoped3A : memref<!tpu.dma_semaphore, #tpu.memory_space<semaphore_mem>>)
        %dma_wait3A = arith.constant 0 : i32
        %dma_wait3A_31 = tpu.memref_slice %arg7[%dma_wait3A] : memref<10000xf32, #tpu.memory_space<vmem>> -> memref<1000xf32, #tpu.memory_space<vmem>>
        %dma_wait3A_32 = tpu.memref_slice %arg8[%mul3A_25] : memref<10000xf32, #tpu.memory_space<vmem_shared>> -> memref<1000xf32, #tpu.memory_space<vmem_shared>>
        %dma_wait3A_33 = tpu.memref_slice %arg8[%mul3A_25] : memref<10000xf32, #tpu.memory_space<vmem_shared>> -> memref<1000xf32, #tpu.memory_space<vmem_shared>>
        %dma_wait3A_34 = arith.constant 0 : i32
        %dma_wait3A_35 = tpu.memref_slice %arg7[%dma_wait3A_34] : memref<10000xf32, #tpu.memory_space<vmem>> -> memref<1000xf32, #tpu.memory_space<vmem>>
        tpu.wait_dma2 semaphore(%run_scoped3A : memref<!tpu.dma_semaphore, #tpu.memory_space<semaphore_mem>>) src(%dma_wait3A_35 : memref<1000xf32, #tpu.memory_space<vmem>>) dst(%dma_wait3A_33 : memref<1000xf32, #tpu.memory_space<vmem_shared>>)
        tpu.yield
      }) : () -> ()
    } else {
    }
    %barrier3A = arith.constant 0 : index
    tpu.barrier barrier_id(%barrier3A)
    %lt3A_14 = arith.constant 25 : i32
    %lt3A_15 = arith.cmpi slt, %add3A, %lt3A_14 : i32
    %convert_element_type3A_16 = arith.extui %lt3A_15 : i1 to i32
    %cond3A_17 = arith.constant 0 : i32
    %cond3A_18 = arith.cmpi ne, %convert_element_type3A_16, %cond3A_17 : i32
    scf.if %cond3A_18 {
      %mul3A_24 = arith.constant 12800 : i32
      %mul3A_25 = arith.muli %add3A, %mul3A_24 : i32
      "tpu.region"() ({
        %run_scoped3A = tpu.sem_alloc : memref<!tpu.dma_semaphore, #tpu.memory_space<semaphore_mem>>
        %dma_start3A = arith.constant 0 : i32
        %dma_start3A_32 = tpu.memref_slice %arg2[%dma_start3A, %mul3A_25] : memref<2x320000xi32, #tpu.memory_space<hbm>> -> memref<2x12800xi32, #tpu.memory_space<hbm>>
        %dma_start3A_33 = arith.constant 0 : i32
        %dma_start3A_34 = tpu.memref_slice %arg2[%dma_start3A_33, %mul3A_25] : memref<2x320000xi32, #tpu.memory_space<hbm>> -> memref<2x12800xi32, #tpu.memory_space<hbm>>
        tpu.enqueue_dma source(%dma_start3A_34 : memref<2x12800xi32, #tpu.memory_space<hbm>>) target(%arg4 : memref<2x12800xi32, #tpu.memory_space<vmem>>) target_semaphore(%run_scoped3A : memref<!tpu.dma_semaphore, #tpu.memory_space<semaphore_mem>>)
        %dma_wait3A = arith.constant 0 : i32
        %dma_wait3A_35 = tpu.memref_slice %arg2[%dma_wait3A, %mul3A_25] : memref<2x320000xi32, #tpu.memory_space<hbm>> -> memref<2x12800xi32, #tpu.memory_space<hbm>>
        %dma_wait3A_36 = arith.constant 0 : i32
        %dma_wait3A_37 = tpu.memref_slice %arg2[%dma_wait3A_36, %mul3A_25] : memref<2x320000xi32, #tpu.memory_space<hbm>> -> memref<2x12800xi32, #tpu.memory_space<hbm>>
        tpu.wait_dma2 semaphore(%run_scoped3A : memref<!tpu.dma_semaphore, #tpu.memory_space<semaphore_mem>>) src(%dma_wait3A_37 : memref<2x12800xi32, #tpu.memory_space<hbm>>) dst(%arg4 : memref<2x12800xi32, #tpu.memory_space<vmem>>)
        tpu.yield
      }) : () -> ()
      %scan3A_26 = arith.constant 0 : i32
      %scan3A_27 = arith.constant 0 : i32
      %scan3A_28 = arith.constant 800 : i32
      %scan3A_29 = arith.addi %scan3A_27, %scan3A_28 : i32
      %scan3A_30 = arith.constant 1 : i32
      scf.for %scan3A_32 = %scan3A_27 to %scan3A_29 step %scan3A_30  : i32 {
        %mul3A_33 = arith.constant 16 : i32
        %mul3A_34 = arith.muli %scan3A_32, %mul3A_33 : i32
        %get3A = arith.constant 1 : i32
        %get3A_35 = arith.index_cast %get3A : i32 to index
        %get3A_36 = arith.index_cast %mul3A_34 : i32 to index
        %get3A_37 = tpu.vector_load %arg4[%get3A_35, %get3A_36] {strides = array<i32>} : memref<2x12800xi32, #tpu.memory_space<vmem>>, vector<1x16xi32>,
        %get3A_38 = vector.shape_cast %get3A_37 : vector<1x16xi32> to vector<16xi32>
        %mul3A_39 = arith.constant 16 : i32
        %mul3A_40 = arith.muli %scan3A_32, %mul3A_39 : i32
        %swap3A = arith.index_cast %mul3A_40 : i32 to index
        %swap3A_41 = tpu.vector_load %arg5[%swap3A] {strides = array<i32>} : memref<12800xi32, #tpu.memory_space<vmem>>, vector<16xi32>,
        %swap3A_42 = vector.shape_cast %swap3A_41 : vector<16xi32> to vector<16xi32>
        %swap3A_43 = vector.shape_cast %get3A_38 : vector<16xi32> to vector<16xi32>
        tpu.vector_store %arg5[%swap3A], %swap3A_43 {strides = array<i32>} : memref<12800xi32, #tpu.memory_space<vmem>>, vector<16xi32>,
      }
      %scan3A_31 = arith.constant 800 : i32
      "tpu.region"() ({
        %run_scoped3A = tpu.sem_alloc : memref<!tpu.dma_semaphore, #tpu.memory_space<semaphore_mem>>
        %dma_start3A = arith.constant 0 : i32
        %dma_start3A_32 = tpu.memref_slice %arg8[%dma_start3A] : memref<10000xf32, #tpu.memory_space<vmem_shared>> -> memref<10000xf32, #tpu.memory_space<vmem_shared>>
        tpu.enqueue_indirect_dma source(%arg6 : memref<12800xf32, #tpu.memory_space<vmem>>) target(%dma_start3A_32 : memref<10000xf32, #tpu.memory_space<vmem_shared>>) offsets(%arg5 : memref<12800xi32, #tpu.memory_space<vmem>>) semaphore(%run_scoped3A : memref<!tpu.dma_semaphore, #tpu.memory_space<semaphore_mem>>) {add = true}
        %dma_wait3A = arith.constant 0 : i32
        %dma_wait3A_33 = tpu.memref_slice %arg8[%dma_wait3A] : memref<10000xf32, #tpu.memory_space<vmem_shared>> -> memref<10000xf32, #tpu.memory_space<vmem_shared>>
        tpu.wait_indirect_dma semaphore(%run_scoped3A : memref<!tpu.dma_semaphore, #tpu.memory_space<semaphore_mem>>) src(%arg6 : memref<12800xf32, #tpu.memory_space<vmem>>) dst(%dma_wait3A_33 : memref<10000xf32, #tpu.memory_space<vmem_shared>>)
        tpu.yield
      }) : () -> ()
    } else {
    }
    %barrier3A_19 = arith.constant 0 : index
    tpu.barrier barrier_id(%barrier3A_19)
    %eq3A = arith.constant 0 : i32
    %eq3A_20 = arith.cmpi eq, %arg1, %eq3A : i32
    %convert_element_type3A_21 = arith.extui %eq3A_20 : i1 to i32
    %cond3A_22 = arith.constant 0 : i32
    %cond3A_23 = arith.cmpi ne, %convert_element_type3A_21, %cond3A_22 : i32
    scf.if %cond3A_23 {
      "tpu.region"() ({
        %run_scoped3A = tpu.sem_alloc : memref<!tpu.dma_semaphore, #tpu.memory_space<semaphore_mem>>
        %dma_start3A = arith.constant 0 : i32
        %dma_start3A_24 = tpu.memref_slice %arg3[%arg0, %dma_start3A] : memref<2x10000xf32, #tpu.memory_space<hbm>> -> memref<1x10000xf32, #tpu.memory_space<hbm>>
        %dma_start3A_25 = tpu.memref_squeeze %dma_start3A_24 : memref<1x10000xf32, #tpu.memory_space<hbm>> -> memref<10000xf32, #tpu.memory_space<hbm>>
        tpu.enqueue_dma source(%arg8 : memref<10000xf32, #tpu.memory_space<vmem_shared>>) target(%dma_start3A_25 : memref<10000xf32, #tpu.memory_space<hbm>>) target_semaphore(%run_scoped3A : memref<!tpu.dma_semaphore, #tpu.memory_space<semaphore_mem>>)
        %dma_wait3A = arith.constant 0 : i32
        %dma_wait3A_26 = tpu.memref_slice %arg3[%arg0, %dma_wait3A] : memref<2x10000xf32, #tpu.memory_space<hbm>> -> memref<1x10000xf32, #tpu.memory_space<hbm>>
        %dma_wait3A_27 = tpu.memref_squeeze %dma_wait3A_26 : memref<1x10000xf32, #tpu.memory_space<hbm>> -> memref<10000xf32, #tpu.memory_space<hbm>>
        tpu.wait_dma2 semaphore(%run_scoped3A : memref<!tpu.dma_semaphore, #tpu.memory_space<semaphore_mem>>) src(%arg8 : memref<10000xf32, #tpu.memory_space<vmem_shared>>) dst(%dma_wait3A_27 : memref<10000xf32, #tpu.memory_space<hbm>>)
        tpu.yield
      }) : () -> ()
    } else {
    }
    return
  }
}

module attributes {stable_mosaic.version = 14 : i64} {
  func.func @_dense_body(%arg0: memref<10000x128xf32, #tpu.memory_space<vmem>>, %arg1: memref<2x10000xf32, #tpu.memory_space<vmem>>, %arg2: memref<1024x16xf32, #tpu.memory_space<vmem>>, %arg3: memref<128x128xf32, #tpu.memory_space<vmem>>, %arg4: memref<1x128xf32, #tpu.memory_space<vmem>>, %arg5: memref<1x128xf32, #tpu.memory_space<vmem>>, %arg6: memref<128x512xf32, #tpu.memory_space<vmem>>, %arg7: memref<1x512xf32, #tpu.memory_space<vmem>>, %arg8: memref<512x128xf32, #tpu.memory_space<vmem>>, %arg9: memref<1x128xf32, #tpu.memory_space<vmem>>, %arg10: memref<1x128xf32, #tpu.memory_space<vmem>>, %arg11: memref<1x128xf32, #tpu.memory_space<vmem>>, %arg12: memref<1024x16xf32, #tpu.memory_space<vmem>>, %arg13: memref<128x128xf32, #tpu.memory_space<vmem>>, %arg14: memref<1x128xf32, #tpu.memory_space<vmem>>, %arg15: memref<1x128xf32, #tpu.memory_space<vmem>>, %arg16: memref<128x512xf32, #tpu.memory_space<vmem>>, %arg17: memref<1x512xf32, #tpu.memory_space<vmem>>, %arg18: memref<512x128xf32, #tpu.memory_space<vmem>>, %arg19: memref<1x128xf32, #tpu.memory_space<vmem>>, %arg20: memref<1x128xf32, #tpu.memory_space<vmem>>, %arg21: memref<1x128xf32, #tpu.memory_space<vmem>>, %arg22: memref<10000x128xf32, #tpu.memory_space<vmem>>) attributes {dimension_semantics = [], scalar_prefetch = 0 : i64, scratch_operands = 0 : i64, tpu.core_type = #tpu.core_type<tc>} {
    %get3A = arith.constant 0 : index
    %get3A_0 = arith.constant 0 : index
    %get3A_1 = vector.load %arg0[%get3A, %get3A_0] : memref<10000x128xf32, #tpu.memory_space<vmem>>, vector<10000x128xf32>
    %get3A_2 = arith.constant 0 : index
    %get3A_3 = arith.constant 0 : index
    %get3A_4 = vector.load %arg1[%get3A_2, %get3A_3] : memref<2x10000xf32, #tpu.memory_space<vmem>>, vector<2x10000xf32>
    %broadcast_in_dim3A = arith.constant 1.000000e+00 : f32
    %broadcast_in_dim3A_5 = vector.broadcast %broadcast_in_dim3A : f32 to vector<2x1xf32>
    %dot_general3A = arith.constant dense<0.000000e+00> : vector<10000x1xf32>
    %dot_general3A_6 = tpu.matmul %get3A_4, %broadcast_in_dim3A_5, %dot_general3A {dimension_numbers = #tpu.dot_dimension_numbers<[0], [0], [1], [1], [0, 1, 1, 1], [], []>, transpose_lhs_hint = false} : vector<2x10000xf32>, vector<2x1xf32>, vector<10000x1xf32> -> vector<10000x1xf32>
    %gt3A = arith.constant 0.000000e+00 : f32
    %gt3A_7 = vector.broadcast %gt3A : f32 to vector<10000x1xf32>
    %gt3A_8 = arith.cmpf ogt, %dot_general3A_6, %gt3A_7 : vector<10000x1xf32>
    %jit3A = arith.constant 1.000000e+00 : f32
    %jit3A_9 = arith.constant 0.000000e+00 : f32
    %broadcast_in_dim3A_10 = vector.broadcast %jit3A : f32 to vector<10000x1xf32>
    %broadcast_in_dim3A_11 = vector.broadcast %jit3A_9 : f32 to vector<10000x1xf32>
    %select_n3A = arith.select %gt3A_8, %broadcast_in_dim3A_10, %broadcast_in_dim3A_11 : vector<10000x1xi1>, vector<10000x1xf32>
    %get3A_12 = arith.constant 0 : index
    %get3A_13 = arith.constant 0 : index
    %get3A_14 = vector.load %arg2[%get3A_12, %get3A_13] : memref<1024x16xf32, #tpu.memory_space<vmem>>, vector<128x16xf32>
    %get3A_15 = arith.constant 128 : index
    %get3A_16 = arith.constant 0 : index
    %get3A_17 = vector.load %arg2[%get3A_15, %get3A_16] : memref<1024x16xf32, #tpu.memory_space<vmem>>, vector<128x16xf32>
    %get3A_18 = arith.constant 256 : index
    %get3A_19 = arith.constant 0 : index
    %get3A_20 = vector.load %arg2[%get3A_18, %get3A_19] : memref<1024x16xf32, #tpu.memory_space<vmem>>, vector<128x16xf32>
    %get3A_21 = arith.constant 384 : index
    %get3A_22 = arith.constant 0 : index
    %get3A_23 = vector.load %arg2[%get3A_21, %get3A_22] : memref<1024x16xf32, #tpu.memory_space<vmem>>, vector<128x16xf32>
    %get3A_24 = arith.constant 512 : index
    %get3A_25 = arith.constant 0 : index
    %get3A_26 = vector.load %arg2[%get3A_24, %get3A_25] : memref<1024x16xf32, #tpu.memory_space<vmem>>, vector<128x16xf32>
    %get3A_27 = arith.constant 640 : index
    %get3A_28 = arith.constant 0 : index
    %get3A_29 = vector.load %arg2[%get3A_27, %get3A_28] : memref<1024x16xf32, #tpu.memory_space<vmem>>, vector<128x16xf32>
    %get3A_30 = arith.constant 768 : index
    %get3A_31 = arith.constant 0 : index
    %get3A_32 = vector.load %arg2[%get3A_30, %get3A_31] : memref<1024x16xf32, #tpu.memory_space<vmem>>, vector<128x16xf32>
    %get3A_33 = arith.constant 896 : index
    %get3A_34 = arith.constant 0 : index
    %get3A_35 = vector.load %arg2[%get3A_33, %get3A_34] : memref<1024x16xf32, #tpu.memory_space<vmem>>, vector<128x16xf32>
    %concatenate3A = tpu.concatenate %get3A_14, %get3A_17, %get3A_20, %get3A_23, %get3A_26, %get3A_29, %get3A_32, %get3A_35 in 1 : vector<128x16xf32>, vector<128x16xf32>, vector<128x16xf32>, vector<128x16xf32>, vector<128x16xf32>, vector<128x16xf32>, vector<128x16xf32>, vector<128x16xf32> -> vector<128x128xf32>
    %dot_general3A_36 = arith.constant dense<0.000000e+00> : vector<10000x128xf32>
    %dot_general3A_37 = tpu.matmul %get3A_1, %concatenate3A, %dot_general3A_36 {dimension_numbers = #tpu.dot_dimension_numbers<[1], [0], [0], [1], [0, 0, 1, 1], [], []>, transpose_lhs_hint = false} : vector<10000x128xf32>, vector<128x128xf32>, vector<10000x128xf32> -> vector<10000x128xf32>
    %mul3A = vector.broadcast %select_n3A : vector<10000x1xf32> to vector<10000x128xf32>
    %mul3A_38 = arith.mulf %dot_general3A_37, %mul3A : vector<10000x128xf32>
    %get3A_39 = arith.constant 0 : index
    %get3A_40 = arith.constant 0 : index
    %get3A_41 = vector.load %arg3[%get3A_39, %get3A_40] : memref<128x128xf32, #tpu.memory_space<vmem>>, vector<128x128xf32>
    %dot_general3A_42 = arith.constant dense<0.000000e+00> : vector<10000x128xf32>
    %dot_general3A_43 = tpu.matmul %mul3A_38, %get3A_41, %dot_general3A_42 {dimension_numbers = #tpu.dot_dimension_numbers<[1], [0], [0], [1], [0, 0, 1, 1], [], []>, transpose_lhs_hint = false} : vector<10000x128xf32>, vector<128x128xf32>, vector<10000x128xf32> -> vector<10000x128xf32>
    %add3A = arith.addf %get3A_1, %dot_general3A_43 : vector<10000x128xf32>
    %get3A_44 = arith.constant 0 : index
    %get3A_45 = arith.constant 0 : index
    %get3A_46 = vector.load %arg4[%get3A_44, %get3A_45] : memref<1x128xf32, #tpu.memory_space<vmem>>, vector<1x128xf32>
    %get3A_47 = arith.constant 0 : index
    %get3A_48 = arith.constant 0 : index
    %get3A_49 = vector.load %arg5[%get3A_47, %get3A_48] : memref<1x128xf32, #tpu.memory_space<vmem>>, vector<1x128xf32>
    %reduce_sum3A = arith.constant dense<0.000000e+00> : vector<128xf32>
    %reduce_sum3A_50 = vector.multi_reduction <add>, %add3A, %reduce_sum3A [0] : vector<10000x128xf32> to vector<128xf32>
    %broadcast_in_dim3A_51 = vector.shape_cast %reduce_sum3A_50 : vector<128xf32> to vector<1x128xf32>
    %div3A = arith.constant 1.000000e+04 : f32
    %div3A_52 = vector.broadcast %div3A : f32 to vector<1x128xf32>
    %div3A_53 = arith.divf %broadcast_in_dim3A_51, %div3A_52 : vector<1x128xf32>
    %mul3A_54 = arith.mulf %add3A, %add3A : vector<10000x128xf32>
    %reduce_sum3A_55 = arith.constant dense<0.000000e+00> : vector<128xf32>
    %reduce_sum3A_56 = vector.multi_reduction <add>, %mul3A_54, %reduce_sum3A_55 [0] : vector<10000x128xf32> to vector<128xf32>
    %broadcast_in_dim3A_57 = vector.shape_cast %reduce_sum3A_56 : vector<128xf32> to vector<1x128xf32>
    %div3A_58 = arith.constant 1.000000e+04 : f32
    %div3A_59 = vector.broadcast %div3A_58 : f32 to vector<1x128xf32>
    %div3A_60 = arith.divf %broadcast_in_dim3A_57, %div3A_59 : vector<1x128xf32>
    %mul3A_61 = arith.mulf %div3A_53, %div3A_53 : vector<1x128xf32>
    %sub3A = arith.subf %div3A_60, %mul3A_61 : vector<1x128xf32>
    %add3A_62 = arith.constant 9.99999974E-6 : f32
    %add3A_63 = vector.broadcast %add3A_62 : f32 to vector<1x128xf32>
    %add3A_64 = arith.addf %sub3A, %add3A_63 : vector<1x128xf32>
    %sqrt3A = math.sqrt %add3A_64 : vector<1x128xf32>
    %div3A_65 = arith.divf %get3A_46, %sqrt3A : vector<1x128xf32>
    %mul3A_66 = vector.broadcast %div3A_65 : vector<1x128xf32> to vector<10000x128xf32>
    %mul3A_67 = arith.mulf %add3A, %mul3A_66 : vector<10000x128xf32>
    %mul3A_68 = arith.mulf %div3A_53, %div3A_65 : vector<1x128xf32>
    %sub3A_69 = arith.subf %get3A_49, %mul3A_68 : vector<1x128xf32>
    %add3A_70 = vector.broadcast %sub3A_69 : vector<1x128xf32> to vector<10000x128xf32>
    %add3A_71 = arith.addf %mul3A_67, %add3A_70 : vector<10000x128xf32>
    %get3A_72 = arith.constant 0 : index
    %get3A_73 = arith.constant 0 : index
    %get3A_74 = vector.load %arg6[%get3A_72, %get3A_73] : memref<128x512xf32, #tpu.memory_space<vmem>>, vector<128x512xf32>
    %dot_general3A_75 = arith.constant dense<0.000000e+00> : vector<10000x512xf32>
    %dot_general3A_76 = tpu.matmul %add3A_71, %get3A_74, %dot_general3A_75 {dimension_numbers = #tpu.dot_dimension_numbers<[1], [0], [0], [1], [0, 0, 1, 1], [], []>, transpose_lhs_hint = false} : vector<10000x128xf32>, vector<128x512xf32>, vector<10000x512xf32> -> vector<10000x512xf32>
    %get3A_77 = arith.constant 0 : index
    %get3A_78 = arith.constant 0 : index
    %get3A_79 = vector.load %arg7[%get3A_77, %get3A_78] : memref<1x512xf32, #tpu.memory_space<vmem>>, vector<1x512xf32>
    %add3A_80 = vector.broadcast %get3A_79 : vector<1x512xf32> to vector<10000x512xf32>
    %add3A_81 = arith.addf %dot_general3A_76, %add3A_80 : vector<10000x512xf32>
    %max3A = arith.constant 0.000000e+00 : f32
    %max3A_82 = vector.broadcast %max3A : f32 to vector<10000x512xf32>
    %max3A_83 = arith.maximumf %add3A_81, %max3A_82 : vector<10000x512xf32>
    %get3A_84 = arith.constant 0 : index
    %get3A_85 = arith.constant 0 : index
    %get3A_86 = vector.load %arg8[%get3A_84, %get3A_85] : memref<512x128xf32, #tpu.memory_space<vmem>>, vector<512x128xf32>
    %dot_general3A_87 = arith.constant dense<0.000000e+00> : vector<10000x128xf32>
    %dot_general3A_88 = tpu.matmul %max3A_83, %get3A_86, %dot_general3A_87 {dimension_numbers = #tpu.dot_dimension_numbers<[1], [0], [0], [1], [0, 0, 1, 1], [], []>, transpose_lhs_hint = false} : vector<10000x512xf32>, vector<512x128xf32>, vector<10000x128xf32> -> vector<10000x128xf32>
    %get3A_89 = arith.constant 0 : index
    %get3A_90 = arith.constant 0 : index
    %get3A_91 = vector.load %arg9[%get3A_89, %get3A_90] : memref<1x128xf32, #tpu.memory_space<vmem>>, vector<1x128xf32>
    %add3A_92 = vector.broadcast %get3A_91 : vector<1x128xf32> to vector<10000x128xf32>
    %add3A_93 = arith.addf %dot_general3A_88, %add3A_92 : vector<10000x128xf32>
    %add3A_94 = arith.addf %add3A_71, %add3A_93 : vector<10000x128xf32>
    %get3A_95 = arith.constant 0 : index
    %get3A_96 = arith.constant 0 : index
    %get3A_97 = vector.load %arg10[%get3A_95, %get3A_96] : memref<1x128xf32, #tpu.memory_space<vmem>>, vector<1x128xf32>
    %get3A_98 = arith.constant 0 : index
    %get3A_99 = arith.constant 0 : index
    %get3A_100 = vector.load %arg11[%get3A_98, %get3A_99] : memref<1x128xf32, #tpu.memory_space<vmem>>, vector<1x128xf32>
    %reduce_sum3A_101 = arith.constant dense<0.000000e+00> : vector<128xf32>
    %reduce_sum3A_102 = vector.multi_reduction <add>, %add3A_94, %reduce_sum3A_101 [0] : vector<10000x128xf32> to vector<128xf32>
    %broadcast_in_dim3A_103 = vector.shape_cast %reduce_sum3A_102 : vector<128xf32> to vector<1x128xf32>
    %div3A_104 = arith.constant 1.000000e+04 : f32
    %div3A_105 = vector.broadcast %div3A_104 : f32 to vector<1x128xf32>
    %div3A_106 = arith.divf %broadcast_in_dim3A_103, %div3A_105 : vector<1x128xf32>
    %mul3A_107 = arith.mulf %add3A_94, %add3A_94 : vector<10000x128xf32>
    %reduce_sum3A_108 = arith.constant dense<0.000000e+00> : vector<128xf32>
    %reduce_sum3A_109 = vector.multi_reduction <add>, %mul3A_107, %reduce_sum3A_108 [0] : vector<10000x128xf32> to vector<128xf32>
    %broadcast_in_dim3A_110 = vector.shape_cast %reduce_sum3A_109 : vector<128xf32> to vector<1x128xf32>
    %div3A_111 = arith.constant 1.000000e+04 : f32
    %div3A_112 = vector.broadcast %div3A_111 : f32 to vector<1x128xf32>
    %div3A_113 = arith.divf %broadcast_in_dim3A_110, %div3A_112 : vector<1x128xf32>
    %mul3A_114 = arith.mulf %div3A_106, %div3A_106 : vector<1x128xf32>
    %sub3A_115 = arith.subf %div3A_113, %mul3A_114 : vector<1x128xf32>
    %add3A_116 = arith.constant 9.99999974E-6 : f32
    %add3A_117 = vector.broadcast %add3A_116 : f32 to vector<1x128xf32>
    %add3A_118 = arith.addf %sub3A_115, %add3A_117 : vector<1x128xf32>
    %sqrt3A_119 = math.sqrt %add3A_118 : vector<1x128xf32>
    %div3A_120 = arith.divf %get3A_97, %sqrt3A_119 : vector<1x128xf32>
    %mul3A_121 = vector.broadcast %div3A_120 : vector<1x128xf32> to vector<10000x128xf32>
    %mul3A_122 = arith.mulf %add3A_94, %mul3A_121 : vector<10000x128xf32>
    %mul3A_123 = arith.mulf %div3A_106, %div3A_120 : vector<1x128xf32>
    %sub3A_124 = arith.subf %get3A_100, %mul3A_123 : vector<1x128xf32>
    %add3A_125 = vector.broadcast %sub3A_124 : vector<1x128xf32> to vector<10000x128xf32>
    %add3A_126 = arith.addf %mul3A_122, %add3A_125 : vector<10000x128xf32>
    %get3A_127 = arith.constant 0 : index
    %get3A_128 = arith.constant 0 : index
    %get3A_129 = vector.load %arg12[%get3A_127, %get3A_128] : memref<1024x16xf32, #tpu.memory_space<vmem>>, vector<128x16xf32>
    %get3A_130 = arith.constant 128 : index
    %get3A_131 = arith.constant 0 : index
    %get3A_132 = vector.load %arg12[%get3A_130, %get3A_131] : memref<1024x16xf32, #tpu.memory_space<vmem>>, vector<128x16xf32>
    %get3A_133 = arith.constant 256 : index
    %get3A_134 = arith.constant 0 : index
    %get3A_135 = vector.load %arg12[%get3A_133, %get3A_134] : memref<1024x16xf32, #tpu.memory_space<vmem>>, vector<128x16xf32>
    %get3A_136 = arith.constant 384 : index
    %get3A_137 = arith.constant 0 : index
    %get3A_138 = vector.load %arg12[%get3A_136, %get3A_137] : memref<1024x16xf32, #tpu.memory_space<vmem>>, vector<128x16xf32>
    %get3A_139 = arith.constant 512 : index
    %get3A_140 = arith.constant 0 : index
    %get3A_141 = vector.load %arg12[%get3A_139, %get3A_140] : memref<1024x16xf32, #tpu.memory_space<vmem>>, vector<128x16xf32>
    %get3A_142 = arith.constant 640 : index
    %get3A_143 = arith.constant 0 : index
    %get3A_144 = vector.load %arg12[%get3A_142, %get3A_143] : memref<1024x16xf32, #tpu.memory_space<vmem>>, vector<128x16xf32>
    %get3A_145 = arith.constant 768 : index
    %get3A_146 = arith.constant 0 : index
    %get3A_147 = vector.load %arg12[%get3A_145, %get3A_146] : memref<1024x16xf32, #tpu.memory_space<vmem>>, vector<128x16xf32>
    %get3A_148 = arith.constant 896 : index
    %get3A_149 = arith.constant 0 : index
    %get3A_150 = vector.load %arg12[%get3A_148, %get3A_149] : memref<1024x16xf32, #tpu.memory_space<vmem>>, vector<128x16xf32>
    %concatenate3A_151 = tpu.concatenate %get3A_129, %get3A_132, %get3A_135, %get3A_138, %get3A_141, %get3A_144, %get3A_147, %get3A_150 in 1 : vector<128x16xf32>, vector<128x16xf32>, vector<128x16xf32>, vector<128x16xf32>, vector<128x16xf32>, vector<128x16xf32>, vector<128x16xf32>, vector<128x16xf32> -> vector<128x128xf32>
    %dot_general3A_152 = arith.constant dense<0.000000e+00> : vector<10000x128xf32>
    %dot_general3A_153 = tpu.matmul %add3A_126, %concatenate3A_151, %dot_general3A_152 {dimension_numbers = #tpu.dot_dimension_numbers<[1], [0], [0], [1], [0, 0, 1, 1], [], []>, transpose_lhs_hint = false} : vector<10000x128xf32>, vector<128x128xf32>, vector<10000x128xf32> -> vector<10000x128xf32>
    %mul3A_154 = vector.broadcast %select_n3A : vector<10000x1xf32> to vector<10000x128xf32>
    %mul3A_155 = arith.mulf %dot_general3A_153, %mul3A_154 : vector<10000x128xf32>
    %get3A_156 = arith.constant 0 : index
    %get3A_157 = arith.constant 0 : index
    %get3A_158 = vector.load %arg13[%get3A_156, %get3A_157] : memref<128x128xf32, #tpu.memory_space<vmem>>, vector<128x128xf32>
    %dot_general3A_159 = arith.constant dense<0.000000e+00> : vector<10000x128xf32>
    %dot_general3A_160 = tpu.matmul %mul3A_155, %get3A_158, %dot_general3A_159 {dimension_numbers = #tpu.dot_dimension_numbers<[1], [0], [0], [1], [0, 0, 1, 1], [], []>, transpose_lhs_hint = false} : vector<10000x128xf32>, vector<128x128xf32>, vector<10000x128xf32> -> vector<10000x128xf32>
    %add3A_161 = arith.addf %add3A_126, %dot_general3A_160 : vector<10000x128xf32>
    %get3A_162 = arith.constant 0 : index
    %get3A_163 = arith.constant 0 : index
    %get3A_164 = vector.load %arg14[%get3A_162, %get3A_163] : memref<1x128xf32, #tpu.memory_space<vmem>>, vector<1x128xf32>
    %get3A_165 = arith.constant 0 : index
    %get3A_166 = arith.constant 0 : index
    %get3A_167 = vector.load %arg15[%get3A_165, %get3A_166] : memref<1x128xf32, #tpu.memory_space<vmem>>, vector<1x128xf32>
    %reduce_sum3A_168 = arith.constant dense<0.000000e+00> : vector<128xf32>
    %reduce_sum3A_169 = vector.multi_reduction <add>, %add3A_161, %reduce_sum3A_168 [0] : vector<10000x128xf32> to vector<128xf32>
    %broadcast_in_dim3A_170 = vector.shape_cast %reduce_sum3A_169 : vector<128xf32> to vector<1x128xf32>
    %div3A_171 = arith.constant 1.000000e+04 : f32
    %div3A_172 = vector.broadcast %div3A_171 : f32 to vector<1x128xf32>
    %div3A_173 = arith.divf %broadcast_in_dim3A_170, %div3A_172 : vector<1x128xf32>
    %mul3A_174 = arith.mulf %add3A_161, %add3A_161 : vector<10000x128xf32>
    %reduce_sum3A_175 = arith.constant dense<0.000000e+00> : vector<128xf32>
    %reduce_sum3A_176 = vector.multi_reduction <add>, %mul3A_174, %reduce_sum3A_175 [0] : vector<10000x128xf32> to vector<128xf32>
    %broadcast_in_dim3A_177 = vector.shape_cast %reduce_sum3A_176 : vector<128xf32> to vector<1x128xf32>
    %div3A_178 = arith.constant 1.000000e+04 : f32
    %div3A_179 = vector.broadcast %div3A_178 : f32 to vector<1x128xf32>
    %div3A_180 = arith.divf %broadcast_in_dim3A_177, %div3A_179 : vector<1x128xf32>
    %mul3A_181 = arith.mulf %div3A_173, %div3A_173 : vector<1x128xf32>
    %sub3A_182 = arith.subf %div3A_180, %mul3A_181 : vector<1x128xf32>
    %add3A_183 = arith.constant 9.99999974E-6 : f32
    %add3A_184 = vector.broadcast %add3A_183 : f32 to vector<1x128xf32>
    %add3A_185 = arith.addf %sub3A_182, %add3A_184 : vector<1x128xf32>
    %sqrt3A_186 = math.sqrt %add3A_185 : vector<1x128xf32>
    %div3A_187 = arith.divf %get3A_164, %sqrt3A_186 : vector<1x128xf32>
    %mul3A_188 = vector.broadcast %div3A_187 : vector<1x128xf32> to vector<10000x128xf32>
    %mul3A_189 = arith.mulf %add3A_161, %mul3A_188 : vector<10000x128xf32>
    %mul3A_190 = arith.mulf %div3A_173, %div3A_187 : vector<1x128xf32>
    %sub3A_191 = arith.subf %get3A_167, %mul3A_190 : vector<1x128xf32>
    %add3A_192 = vector.broadcast %sub3A_191 : vector<1x128xf32> to vector<10000x128xf32>
    %add3A_193 = arith.addf %mul3A_189, %add3A_192 : vector<10000x128xf32>
    %get3A_194 = arith.constant 0 : index
    %get3A_195 = arith.constant 0 : index
    %get3A_196 = vector.load %arg16[%get3A_194, %get3A_195] : memref<128x512xf32, #tpu.memory_space<vmem>>, vector<128x512xf32>
    %dot_general3A_197 = arith.constant dense<0.000000e+00> : vector<10000x512xf32>
    %dot_general3A_198 = tpu.matmul %add3A_193, %get3A_196, %dot_general3A_197 {dimension_numbers = #tpu.dot_dimension_numbers<[1], [0], [0], [1], [0, 0, 1, 1], [], []>, transpose_lhs_hint = false} : vector<10000x128xf32>, vector<128x512xf32>, vector<10000x512xf32> -> vector<10000x512xf32>
    %get3A_199 = arith.constant 0 : index
    %get3A_200 = arith.constant 0 : index
    %get3A_201 = vector.load %arg17[%get3A_199, %get3A_200] : memref<1x512xf32, #tpu.memory_space<vmem>>, vector<1x512xf32>
    %add3A_202 = vector.broadcast %get3A_201 : vector<1x512xf32> to vector<10000x512xf32>
    %add3A_203 = arith.addf %dot_general3A_198, %add3A_202 : vector<10000x512xf32>
    %max3A_204 = arith.constant 0.000000e+00 : f32
    %max3A_205 = vector.broadcast %max3A_204 : f32 to vector<10000x512xf32>
    %max3A_206 = arith.maximumf %add3A_203, %max3A_205 : vector<10000x512xf32>
    %get3A_207 = arith.constant 0 : index
    %get3A_208 = arith.constant 0 : index
    %get3A_209 = vector.load %arg18[%get3A_207, %get3A_208] : memref<512x128xf32, #tpu.memory_space<vmem>>, vector<512x128xf32>
    %dot_general3A_210 = arith.constant dense<0.000000e+00> : vector<10000x128xf32>
    %dot_general3A_211 = tpu.matmul %max3A_206, %get3A_209, %dot_general3A_210 {dimension_numbers = #tpu.dot_dimension_numbers<[1], [0], [0], [1], [0, 0, 1, 1], [], []>, transpose_lhs_hint = false} : vector<10000x512xf32>, vector<512x128xf32>, vector<10000x128xf32> -> vector<10000x128xf32>
    %get3A_212 = arith.constant 0 : index
    %get3A_213 = arith.constant 0 : index
    %get3A_214 = vector.load %arg19[%get3A_212, %get3A_213] : memref<1x128xf32, #tpu.memory_space<vmem>>, vector<1x128xf32>
    %add3A_215 = vector.broadcast %get3A_214 : vector<1x128xf32> to vector<10000x128xf32>
    %add3A_216 = arith.addf %dot_general3A_211, %add3A_215 : vector<10000x128xf32>
    %add3A_217 = arith.addf %add3A_193, %add3A_216 : vector<10000x128xf32>
    %get3A_218 = arith.constant 0 : index
    %get3A_219 = arith.constant 0 : index
    %get3A_220 = vector.load %arg20[%get3A_218, %get3A_219] : memref<1x128xf32, #tpu.memory_space<vmem>>, vector<1x128xf32>
    %get3A_221 = arith.constant 0 : index
    %get3A_222 = arith.constant 0 : index
    %get3A_223 = vector.load %arg21[%get3A_221, %get3A_222] : memref<1x128xf32, #tpu.memory_space<vmem>>, vector<1x128xf32>
    %reduce_sum3A_224 = arith.constant dense<0.000000e+00> : vector<128xf32>
    %reduce_sum3A_225 = vector.multi_reduction <add>, %add3A_217, %reduce_sum3A_224 [0] : vector<10000x128xf32> to vector<128xf32>
    %broadcast_in_dim3A_226 = vector.shape_cast %reduce_sum3A_225 : vector<128xf32> to vector<1x128xf32>
    %div3A_227 = arith.constant 1.000000e+04 : f32
    %div3A_228 = vector.broadcast %div3A_227 : f32 to vector<1x128xf32>
    %div3A_229 = arith.divf %broadcast_in_dim3A_226, %div3A_228 : vector<1x128xf32>
    %mul3A_230 = arith.mulf %add3A_217, %add3A_217 : vector<10000x128xf32>
    %reduce_sum3A_231 = arith.constant dense<0.000000e+00> : vector<128xf32>
    %reduce_sum3A_232 = vector.multi_reduction <add>, %mul3A_230, %reduce_sum3A_231 [0] : vector<10000x128xf32> to vector<128xf32>
    %broadcast_in_dim3A_233 = vector.shape_cast %reduce_sum3A_232 : vector<128xf32> to vector<1x128xf32>
    %div3A_234 = arith.constant 1.000000e+04 : f32
    %div3A_235 = vector.broadcast %div3A_234 : f32 to vector<1x128xf32>
    %div3A_236 = arith.divf %broadcast_in_dim3A_233, %div3A_235 : vector<1x128xf32>
    %mul3A_237 = arith.mulf %div3A_229, %div3A_229 : vector<1x128xf32>
    %sub3A_238 = arith.subf %div3A_236, %mul3A_237 : vector<1x128xf32>
    %add3A_239 = arith.constant 9.99999974E-6 : f32
    %add3A_240 = vector.broadcast %add3A_239 : f32 to vector<1x128xf32>
    %add3A_241 = arith.addf %sub3A_238, %add3A_240 : vector<1x128xf32>
    %sqrt3A_242 = math.sqrt %add3A_241 : vector<1x128xf32>
    %div3A_243 = arith.divf %get3A_220, %sqrt3A_242 : vector<1x128xf32>
    %mul3A_244 = vector.broadcast %div3A_243 : vector<1x128xf32> to vector<10000x128xf32>
    %mul3A_245 = arith.mulf %add3A_217, %mul3A_244 : vector<10000x128xf32>
    %mul3A_246 = arith.mulf %div3A_229, %div3A_243 : vector<1x128xf32>
    %sub3A_247 = arith.subf %get3A_223, %mul3A_246 : vector<1x128xf32>
    %add3A_248 = vector.broadcast %sub3A_247 : vector<1x128xf32> to vector<10000x128xf32>
    %add3A_249 = arith.addf %mul3A_245, %add3A_248 : vector<10000x128xf32>
    %swap3A = arith.constant 0 : index
    %swap3A_250 = arith.constant 0 : index
    %swap3A_251 = vector.load %arg22[%swap3A, %swap3A_250] : memref<10000x128xf32, #tpu.memory_space<vmem>>, vector<10000x128xf32>
    tpu.vector_store %arg22[%swap3A, %swap3A_250], %add3A_249 {strides = array<i32>} : memref<10000x128xf32, #tpu.memory_space<vmem>>, vector<10000x128xf32>,
    return
  }
}

</mosaic_0001>

<sc_bundles>
// kernel: kernel.4.cloned.1.call-start
scs
__scs_entry_jumppad:
0x0: {  	(pc) =	sbr.rel $0x88, $3  }
0x1: {  	(tag) =	ssettag $0x0;
	lr =	simm.s32 $0x1  }
0x2: {  	[smem:$0x3F8B] =	sst lr;
	_ =	strace $0xD0000000  }
0x3: {  	_ = 	snop  }
0x4: {  	_ = 	snop  }
0x5: {  	_ = 	snop  }
0x6: {  	_ = 	snop  }
0x7: {  	_ = 	snop  }
__scs_overlays_trampoline_lowered:
0x8: {  	[smem:$0x3F9A] =	sst s0  }
0x9: {  	[smem:$0x3F9B] =	sst s1  }
0xa: {  	[smem:$0x3F9C] =	sst s2  }
0xb: {  	[smem:$0x3F9D] =	sst s3  }
0xc: {  	[smem:$0x3F9E] =	sst s4  }
0xd: {  	[smem:$0x3F9F] =	sst s5  }
0xe: {  	[smem:$0x3FA0] =	sst s6  }
0xf: {  	[smem:$0x3FA1] =	sst s7  }
0x10: {  	[smem:$0x3FA2] =	sst s8  }
0x11: {  	[smem:$0x3FA3] =	sst s9;
	s0 =	simm.s32 @!p0 $0x0  }
0x12: {  	s1 =	sld [smem:$0x3F89];
	s0 =	simm.s32 @p0 $0x1  }
0x13: {  	[smem:$0x3FA4] =	sst s0;
	s0 =	simm.s32 @!p1 $0x0  }
0x14: {  	s2 =	sld [smem:$0x3F88];
	s0 =	simm.s32 @p1 $0x1  }
0x15: {  	[smem:$0x3FA5] =	sst s0;
	s0 =	simm.s32 @!p2 $0x0  }
0x16: {  	s3 =	sld [smem:$0x3FDB];
	s0 =	simm.s32 @p2 $0x1  }
0x17: {  	s4 =	simm.s32 $0x1BF5;
	[smem:$0x3FA7] =	sst s0  }
0x18: {  	s0 =	sld [smem:$0x3F8A];
	_ =	swait.ge [sflag:s4], $0x0  }
0x19: {  	s7 =	sld [smem:$0x3F8B]  }
0x1a: {  	s8 =	sadd.s32 $0xFFFFE003, lr  }
0x1b: {  	s9 =	sadd.s32 $0xFFFFFEF7, lr;
	s5 =	simm.s32 $0xFFFFFFFF;
	p2 =	slt.u32 s8, $0xFFFFF086  }
0x1c: {  	p1 =	slt.u32 s9, $0xF7A;
	s5 =	simm.s32 @!p2 $0x0  }
0x1d: {  	s5 =	simm.s32 @p1 $0x1;
	p0 =	seq.s32 s7, s2  }
0x1e: {  	s7 =	smul.u32 @!p0 $0xF7A, s2;
	p2 =	seq.s32 @!p0 s5, $0x0  }
0x1f: {  	s9 =	smul.u32 $0xF7A, s1;
	s8 =	simm.s32 @!p0 $0x1BF5;
	p2 =	por !p2, p0  }
0x20: {  	[sflag:s8] =	ssyncset.s32 @!p0 $0xFFFFF086;
	s6 =	sadd.s32 @!p0 s3, s7;
	s7 =	simm.s32 @!p0 $0x108  }
0x21: {  	s3 =	sadd.s32 s3, s9;
	s6 =	sadd.s32 @!p0 $0x88, s6;
	s7 =	simm.s32 @p2 $0x1082  }
0x22: {  	[simem:s7], [sflag:s8] =	dma.local @!p0 [hbm:s6], $0xF7A  }
0x23: {  	s9 =	sor.u32 $0xD0000000, s2;
	s6 =	simm.s32 $0x108;
	_ =	swait.ge @!p0 [sflag:s8], $0x0  }
0x24: {  	s3 =	sadd.s32 $0x88, s3;
	s6 =	simm.s32 @!p1 $0x1082;
	[sflag:s4] =	ssyncset.s32 $0xFFFFF086  }
0x25: {  	[simem:s6], [sflag:s4] =	dma.local [hbm:s3], $0xF7A  }
0x26: {  	[smem:$0x3F8B] =	sst s1;
	(tag) =	ssettag s2;
	_ =	strace s9  }
0x27: {  	s1 =	sld [smem:$0x3F9B]  }
0x28: {  	s2 =	sld [smem:$0x3F9C]  }
0x29: {  	s4 =	sld [smem:$0x3F9E]  }
0x2a: {  	p0 =	seq.s32 s5, $0x0;
	s5 =	sld [smem:$0x3F9F]  }
0x2b: {  	s6 =	sld [smem:$0x3FA0]  }
0x2c: {  	s7 =	sld [smem:$0x3FA1]  }
0x2d: {  	s3 =	simm.s32 $0x108;
	s8 =	sld [smem:$0x3FA2]  }
0x2e: {  	s3 =	simm.s32 @!p0 $0x1082;
	s9 =	sld [smem:$0x3FA3]  }
0x2f: {  	lr =	sadd.s32 s0, s3;
	s0 =	sld [smem:$0x3F9A]  }
0x30: {  	s3 =	sld [smem:$0x3F9D]  }
0x31: {  	[smem:$0x3FA6] =	sst s10  }
0x32: {  	s10 =	sld [smem:$0x3FA4];
	_ =	sdelay $0x3  }
0x33: {  	p0 =	seq.s32 s10, $0x1;
	s10 =	sld [smem:$0x3FA6];
	_ =	sdelay $0x3  }
0x34: {  	[smem:$0x3FA6] =	sst s10  }
0x35: {  	s10 =	sld [smem:$0x3FA5];
	_ =	sdelay $0x3  }
0x36: {  	p1 =	seq.s32 s10, $0x1;
	s10 =	sld [smem:$0x3FA6];
	_ =	sdelay $0x3  }
0x37: {  	[smem:$0x3FA6] =	sst s10  }
0x38: {  	s10 =	sld [smem:$0x3FA7]  }
0x39: {  	_ = 	snop;
	(pc) =	sbr.ind lr, $3  }
0x3a: {  	_ = 	snop  }
0x3b: {  	_ = 	snop  }
0x3c: {  	p2 =	seq.s32 s10, $0x1;
	s10 =	sld [smem:$0x3FA6]  }
0x3d: {  	_ =	shalt  }
0x3e: {  	_ =	shalt  }
0x3f: {  	_ =	shalt  }
0x40: {  	_ =	shalt  }
0x41: {  	_ =	shalt  }
0x42: {  	_ =	shalt  }
0x43: {  	_ =	shalt  }
0x44: {  	_ =	shalt  }
0x45: {  	_ =	shalt  }
0x46: {  	_ =	shalt  }
0x47: {  	_ =	shalt  }
0x48: {  	_ =	shalt  }
0x49: {  	_ =	shalt  }
0x4a: {  	_ =	shalt  }
0x4b: {  	_ =	shalt  }
0x4c: {  	_ =	shalt  }
0x4d: {  	_ =	shalt  }
0x4e: {  	_ =	shalt  }
0x4f: {  	_ =	shalt  }
0x50: {  	_ =	shalt  }
0x51: {  	_ =	shalt  }
0x52: {  	_ =	shalt  }
0x53: {  	_ =	shalt  }
0x54: {  	_ =	shalt  }
0x55: {  	_ =	shalt  }
0x56: {  	_ =	shalt  }
0x57: {  	_ =	shalt  }
0x58: {  	_ =	shalt  }
0x59: {  	_ =	shalt  }
0x5a: {  	_ =	shalt  }
0x5b: {  	_ =	shalt  }
0x5c: {  	_ =	shalt  }
0x5d: {  	_ =	shalt  }
0x5e: {  	_ =	shalt  }
0x5f: {  	_ =	shalt  }
0x60: {  	_ =	shalt  }
0x61: {  	_ =	shalt  }
0x62: {  	_ =	shalt  }
0x63: {  	_ =	shalt  }
0x64: {  	_ =	shalt  }
0x65: {  	_ =	shalt  }
0x66: {  	_ =	shalt  }
0x67: {  	_ =	shalt  }
0x68: {  	_ =	shalt  }
0x69: {  	_ =	shalt  }
0x6a: {  	_ =	shalt  }
0x6b: {  	_ =	shalt  }
0x6c: {  	_ =	shalt  }
0x6d: {  	_ =	shalt  }
0x6e: {  	_ =	shalt  }
0x6f: {  	_ =	shalt  }
0x70: {  	_ =	shalt  }
0x71: {  	_ =	shalt  }
0x72: {  	_ =	shalt  }
0x73: {  	_ =	shalt  }
0x74: {  	_ =	shalt  }
0x75: {  	_ =	shalt  }
0x76: {  	_ =	shalt  }
0x77: {  	_ =	shalt  }
0x78: {  	_ =	shalt  }
0x79: {  	_ =	shalt  }
0x7a: {  	_ =	shalt  }
0x7b: {  	_ =	shalt  }
0x7c: {  	_ =	shalt  }
0x7d: {  	_ =	shalt  }
0x7e: {  	_ =	shalt  }
0x7f: {  	_ =	shalt  }
0x80: {  	_ =	shalt  }
0x81: {  	_ =	shalt  }
0x82: {  	_ =	shalt  }
0x83: {  	_ =	shalt  }
0x84: {  	_ =	shalt  }
0x85: {  	_ =	shalt  }
0x86: {  	_ =	shalt  }
0x87: {  	_ =	shalt  }
.Lfunc_end0:
.L_simem_size_0:
called_computation_lowered:
.L_overlay_start_0:
0x88: {  	s2 =	sld [smem:$0x3FD9]  }
0x89: {  	s3 =	sld [smem:$0x3FFE];
	_ =	sdelay $0x1  }
0x8a: {  	s1 =	srdreg.scid  }
0x8b: {  	s0 =	sand.u32 $0x1, s1  }
0x8c: {  	s18 =	sshll.u32 s0, $0xA;
	s2 =	sadd.s32 s3, s2  }
0x8d: {  	s2 =	sadd.s32 s2, s18  }
0x8e: {  	[smem:$0x3FB2] =	sst s2  }
0x8f: {  	_ = 	snop  }
0x90: {  	s2 =	sld [smem:$0x3FC8]  }
0x91: {  	s19 =	sld [smem:$0x3FD0];
	(tm) =	ssettm $0x1  }
0x92: {  	s4 =	sld [smem:$0x3FFB];
	_ =	sdelay $0x3  }
0x93: {  	_ =	strace s4  }
0x94: {  	s4 =	sld [smem:$0x3FFC];
	_ =	sdelay $0x3  }
0x95: {  	_ =	strace s4  }
0x96: {  	s4 =	sld [smem:$0x3FFD];
	_ =	sdelay $0x3  }
0x97: {  	_ =	strace s4  }
0x98: {  	_ =	strace $0x8FFFFFFF  }
0x99: {  	s20 =	sld [smem:$0x3FDB];
	_ =	sdelay $0x1  }
0x9a: {  	s5 =	simm.s32 $_scs_section_size  }
0x9b: {  	s6 =	simm.s32 $_size__tile_overlayer_lowered;
	s7 =	simm.s32 $_tile_overlayer_lowered  }
0x9c: {  	s23 =	simm.s32 $0x1BFF;
	s22 =	sshll.u32 s7, $0x1;
	s4 =	sadd.s32 s5, s20  }
0x9d: {  	s8 =	simm.s32 $0x0;
	s21 =	sshll.u32 s6, $0x1;
	s6 =	sadd.s32 s22, s4  }
0x9e: {  	[timem:s8], [sflag:s23] =	dma.local [hbm:s6], s21  }
0x9f: {  	_ =	swait.ge [sflag:s23], s21  }
0xa0: {  	s5 =	ssub.s32 $0x0, s21;
	[sflag:s23] =	ssyncset.done $0x0  }
0xa1: {  	[sflag:s23] =	ssyncadd.s32 s5;
	_ =	sdelay $0x1  }
0xa2: {  	s24 =	simm.s32 $0x1B8B  }
0xa3: {  	_ =	swait.ge [sflag:s24], $0x1  }
0xa4: {  	[sflag:s24] =	ssyncset.done $0x0  }
0xa5: {  	s25 =	simm.s32 $0x1B8E;
	[sflag:s24] =	ssyncadd.s32 $0xFFFFFFFF  }
0xa6: {  	s26 =	simm.s32 $execute0_lowered;
	[smem:$0x3FD2] =	sst s25  }
0xa7: {  	s5 =	sshll.u32 s26, $0x1;
	_ =	strace $0x80000046;
	[dreg:$0x1] =	wrdreg $0xFFFFFFFF  }
0xa8: {  	s28 =	simm.s32 $_size_execute0_lowered;
	s4 =	sadd.s32 s4, s5;
	[dreg:$0x0] =	wrdreg $0x0  }
0xa9: {  	s5 =	sshll.u32 s28, $0x1;
	[dreg:$0x2] =	wrdreg s4  }
0xaa: {  	[dreg:$0x3] =	wrdreg s5  }
0xab: {  	[dreg:$0x4] =	wrdreg $0xC0  }
0xac: {  	_ =	task [dreg:s8], $0x5FFFF  }
0xad: {  	[dreg:$0x1] =	wrdreg $0xFFFFFFFF  }
0xae: {  	[dreg:$0x0] =	wrdreg $0x60  }
0xaf: {  	[dreg:$0x2] =	wrdreg s2  }
0xb0: {  	[dreg:$0x3] =	wrdreg s19  }
0xb1: {  	[dreg:$0x4] =	wrdreg $0xEF800  }
0xb2: {  	[dreg:$0x5] =	wrdreg $0x9  }
0xb3: {  	_ =	task.clear_ibuf [dreg:s8], $0x6FFFF;
	_ =	strace $0x90000046  }
0xb4: {  	s29 =	simm.s32 $0x9;
	_ =	strace $0x80000048  }
0xb5: {  	_ =	swait.ge [sflag:s29], $0x1  }
0xb6: {  	[sflag:s29] =	ssyncadd.s32 $0xFFFFFFFF  }
0xb7: {  	_ =	strace $0x90000048  }
0xb8: {  	_ =	sfence  }
0xb9: {  	s30 =	sld [smem:$0x0];
	_ =	sdelay $0x2  }
0xba: {  	s31 =	sshll.u32 s1, $0xD;
	s1 =	sshrl.u32 s1, $0x2  }
0xbb: {  	s3 =	sand.u32 $0x4000, s31;
	s1 =	sadd.s32 s1, s30  }
0xbc: {  	s0 =	sor.u32 s3, s0;
	s1 =	sshll.u32 s1, $0x11  }
0xbd: {  	s0 =	sor.u32 s1, s0  }
0xbe: {  	s0 =	sadd.s32 $0x8F2B, s0  }
0xbf: {  	[sflag:s0] =	ssyncadd.remote.s32 $0x1  }
0xc0: {  	_ =	sfence.sel $0xFFFF  }
0xc1: {  	[dreg:$0x0] =	wrdreg $0xFFFFFFFF;
	(pc) =	sbr.abs _section_cstart, $3  }
0xc2: {  	[dreg:$0x1] =	wrdreg $0xFFFFFFFF  }
0xc3: {  	_ =	task.clear_ibuf [dreg:s8], $0x2FFFF;
	_ =	strace $0x9FFFFFFF  }
0xc4: {  	(tm) =	ssettm $0x7FFFFFFF  }
0xc5: {  	_ =	shalt  }
tec
execute0_lowered:
.L_overlay_start_1:
0x0: {  	(tag) =	ssettag $0x1  }
0x1: {  	s4 =	rddreg [dreg:$0x0]  }
0x2: {  	s5 =	rddreg [dreg:$0x1]  }
0x3: {  	s1 =	rddreg [dreg:$0x2]  }
0x4: {  	s0 =	rddreg [dreg:$0x3];
	s2 =	simm.s32 $0x0;
	s3 =	srdreg.scid  }
0x5: {  	s9 =	stileid.u32;
	[smem:$0x7FF] =	sst s2  }
0x6: {  	s3 =	sand.u32 $0x1, s3;
	s6 =	sshll.u32 s9, $0x1;
	s30 =	smul.u32 $0xFA0, s9  }
0x7: {  	p1 =	sgt.u32 s9, $0x9;
	p0 =	sne.s32 s9, $0x0;
	s9 =	simm.s32 $0x6400  }
0x8: {  	s7 =	ssub.s32 $0x2, s3;
	s8 =	sor.u32 s3, s6;
	_ =	strace $0x80000047  }
.Ltmp0:
0x9: {  	s31 =	sshll.u32 s3, $0x4;
	s10 =	sshrl.u32 s7, $0x1;
	(pc) =	sbr.rel .LBB2_1-.Ltmp0, $4  }
0xa: {  	s11 =	smul.u32 $0xC80, s8;
	s6 =	sshrl.u32 s30, $0x2;
	s5 =	sadd.s32 s5, s31  }
0xb: {  	p2 =	sgt.u32 s8, $0x18;
	s8 =	simm.s32 $0x3200;
	s7 =	ssub.s32 s7, s10  }
0xc: {  	s3 =	sadd.s32 s6, s1;
	s10 =	simm.s32 $0x9600;
	s4 =	sadd.s32 s4, s11  }
0xd: {  	v0 =	vimm.f32 $1.000000000e+00;
	v1 =	vimm.f32 $0.0e+00;
	s6 =	smax.u32 s7, $0x1;
	s7 =	simm.s32 $0x1;
	s11 =	sshrl.u32 @!p0 s1, $0x3  }
.LBB2_8:
0xe: {  	s12 =	sadd.s32 $0x10, s12  }
0xf: {  	[tilespmem:s12+$0x0] =	vst v2  }
0x10: {  	[spmem:s1] =	stream.indirect.scatter.add.f32 [tilespmem:s10], [sflag:$0x1], $0x1, s9, s8, $0xb8;
	[tilespmem:$0xF1F8] =	vst v63  }
0x11: {  	_ =	swait.ge [sflag:s7], $0x3200  }
0x12: {  	[sflag:s7] =	ssyncset.done $0x0  }
0x13: {  	[sflag:s7] =	ssyncadd.s32 $0xFFFFCE00  }
.LBB2_9:
0x14: {  	[bflag:$0x0] =	sbarrier.arrive $0xFFFF;
	s2 =	sadd.s32 $0x1, s2  }
0x15: {  	s12 =	simm.s32 @!p0 $0x1;
	s13 =	simm.s32 @!p0 $0x20;
	p3 =	sne.s32 s2, s6  }
.Ltmp1:
0x16: {  	s14 =	simm.s32 @!p0 $0x10;
	s15 =	simm.s32 @!p0 $0x1C01;
	(pc) =	sbr.rel @!p3 .LBB2_10-.Ltmp1, $4  }
0x17: {  	[hbm:s5@s13], [sflag:s15] =	dma.strided @!p0 [spmem:s11@s14], $0x4F0, s12, $0x10   }
0x18: {  	_ =	swait.ge @!p0 [sflag:s12], $0x4F0  }
0x19: {  	[sflag:s12] =	ssyncset.done @!p0 $0x0  }
0x1a: {  	[sflag:s12] =	ssyncadd.s32 @!p0 $0xFFFFFB10  }
.LBB2_1:
0x1b: {  	s12 =	simm.s32 $0x0  }
.LBB2_2:
0x1c: {  	p3 =	sne.s32 s12, $0xC7C0  }
.Ltmp2:
0x1d: {  	_ = 	snop;
	(pc) =	sbr.rel @p3 .LBB2_2-.Ltmp2, $3  }
0x1e: {  	_ =	sdelay $0x1  }
0x1f: {  	s13 =	sshra.s32 s12, $0x2  }
0x20: {  	s12 =	sadd.s32 $0x40, s12;
	[tilespmem:s13+$0x9600] =	vst v0  }
0x21: {  	s12 =	simm.s32 $0x40;
	s13 =	simm.s32 $0x0  }
.LBB2_4:
0x22: {  	p3 =	sne.s32 s12, $0xF80;
	[tilespmem:s13+$0xC800] =	vst v1;
	s13 =	smov.u32 s12;
	s12 =	sadd.s32 $0x40, s12  }
.Ltmp3:
0x23: {  	(pc) =	sbr.rel @p3 .LBB2_4-.Ltmp3, $2  }
0x24: {  	_ =	sdelay $0x2  }
0x25: {  	s13 =	sshra.s32 s13, $0x2  }
0x26: {  	[tilespmem:s13+$0xC800] =	vst v1;
	s12 =	simm.s32 @!p1 $0xC800  }
0x27: {  	[spmem:s3] =	stream.linear.scatter @!p1 [tilespmem:s12], [sflag:$0x1], $0x3E8, $0x38;
	[tilespmem:$0xF1F8] =	vst v63  }
0x28: {  	s12 =	simm.s32 @!p1 $0x1  }
.Ltmp4:
0x29: {  	_ =	swait.ge @!p1 [sflag:s12], $0x3E8;
	(pc) =	sbr.rel @p2 .LBB2_9-.Ltmp4, $3  }
0x2a: {  	[sflag:s12] =	ssyncset.done @!p1 $0x0  }
0x2b: {  	[sflag:s12] =	ssyncadd.s32 @!p1 $0xFFFFFC18  }
0x2c: {  	[bflag:$0x0] =	sbarrier.arrive $0xFFFF;
	_ =	sdelay $0x1  }
0x2d: {  	s12 =	simm.s32 $0x0  }
0x2e: {  	[tilespmem:s12], [sflag:$0x1] =	stream.linear.gather [hbm4b:s4+s12], $0x6400, $0x38;
	[tilespmem:$0xF1F8] =	vst v63  }
0x2f: {  	s13 =	sand.u32 $0x1FC00, s12;
	_ =	swait.ge [sflag:s7], $0x6400  }
0x30: {  	s12 =	sand.u32 $0x70, s12;
	s13 =	sshrl.u32 s13, $0x2;
	[sflag:s7] =	ssyncset.done $0x0  }
0x31: {  	s12 =	sor.u32 s12, s13;
	[sflag:s7] =	ssyncadd.s32 $0xFFFF9C00  }
0x32: {  	v2 =	vld [tilespmem:s12+$0x80];
	_ =	sdelay $0x1  }
0x33: {  	s30 =	simm.s32 $0x80  }
0x34: {  	s31 =	simm.s32 $0x10;
	s14 =	sand.u32 $0x1FC00, s30  }
0x35: {  	s14 =	sshrl.u32 s14, $0x2;
	s13 =	sand.u32 $0x70, s31;
	s12 =	simm.s32 $0x6400  }
0x36: {  	s14 =	sor.u32 s13, s14;
	[tilespmem:s12+$0x0] =	vst v2  }
0x37: {  	v2 =	vld [tilespmem:s14+$0x80]  }
0x38: {  	s13 =	simm.s32 $0x20;
	s14 =	simm.s32 $0x100  }
.LBB2_7:
0x39: {  	s15 =	sand.u32 $0x1FC00, s14;
	p3 =	sne.s32 s13, $0x31F0  }
0x3a: {  	s16 =	smov.u32 s13;
	s13 =	sadd.s32 $0x10, s13;
	s12 =	sadd.s32 $0x10, s12  }
.Ltmp5:
0x3b: {  	s16 =	sand.u32 $0x70, s16;
	s15 =	sshrl.u32 s15, $0x2;
	(pc) =	sbr.rel @p3 .LBB2_7-.Ltmp5, $3  }
0x3c: {  	s15 =	sor.u32 s16, s15;
	[tilespmem:s12+$0x0] =	vst v2  }
0x3d: {  	v2 =	vld [tilespmem:s15+$0x80];
	_ =	sdelay $0x1  }
0x3e: {  	s14 =	sadd.s32 $0x80, s14  }
.Ltmp6:
0x3f: {  	_ = 	snop;
	(pc) =	sbr.rel .LBB2_8-.Ltmp6, $1  }
0x40: {  	_ =	sdelay $0x3  }
.LBB2_10:
0x41: {  	_ =	sfence.sel $0x180000  }
0x42: {  	[bflag:$0x0] =	sbarrier.arrive $0xFFFF  }
0x43: {  	_ =	strace $0x90000047  }
0x44: {  	s0 =	sadd.s32 @!p0 $0x100000, s0;
	[bflag:$0x2] =	sbarrier.arrive $0xFFFF  }
0x45: {  	[sflag:s0] =	ssyncadd.tile.s32 @!p0 $0x1;
	_ =	shalt  }
.Lfunc_end2:
_tile_overlayer_lowered:
.L_overlay_start_2:
0x46: {  	(tag) =	ssettag $0x2  }
0x47: {  	s0 =	rddreg [dreg:$0x0];
	s2 =	stileid.u32  }
0x48: {  	s1 =	rddreg [dreg:$0x1];
	p0 =	sne.s32 s2, $0x0  }
0x49: {  	s3 =	rddreg [dreg:$0x2];
	[bflag:$0x3] =	sbarrier.arrive $0xFFFF;
	s2 =	simm.s32 @!p0 $0x1C01  }
0x4a: {  	[timem:s3], [sflag:s2] =	dma.local @!p0 [hbm:s0], s1  }
0x4b: {  	s0 =	simm.s32 @!p0 $0x1  }
0x4c: {  	_ =	swait.ge @!p0 [sflag:s0], s1  }
0x4d: {  	s1 =	ssub.s32 @!p0 $0x0, s1;
	[sflag:s0] =	ssyncset.done @!p0 $0x0  }
0x4e: {  	[sflag:s0] =	ssyncadd.s32 @!p0 s1  }
0x4f: {  	[bflag:$0x3] =	sbarrier.arrive $0xFFFF  }
0x50: {  	_ =	shalt  }

</sc_bundles>
